<compile_context>
chip_gen: v7x
topology: tpu7x:2x2x1
jax: 0.10.2.dev20260603
libtpu: 0.0.44.dev20260713+nightly
codegen_flags: <defaults>
</compile_context>

<pallas_src>
import itertools

import jax
import jax.numpy as jnp
import numpy as np
from jax.experimental import pallas as pl

_NODE = 32
_K = 4
_DIMS = _NODE * _K
_SAMPLELIST = [[(37 * (4 * g + j)) % _DIMS for j in range(_K)] for g in range(_NODE)]
_INDEX = list(itertools.chain.from_iterable(_SAMPLELIST))

_src = list(range(_DIMS))
for _i in range(_DIMS):
    _src[_INDEX[_i]] = _src[_i]
_SRC = np.asarray(_src, dtype=np.int32)
_I_C = _SRC // _K
_J_C = _SRC % _K
_ONEHOT = (np.arange(_NODE)[:, None] == _I_C[None, :]).astype(np.float32)
_WROW = (np.arange(3)[None, :] * _K) + _J_C[:, None]

_ROWS_PER_BLOCK = 2048


def _matmul_kernel(x_ref, m_ref, bias_ref, out_ref):
    out_ref[...] = (
        jnp.dot(x_ref[...], m_ref[...], preferred_element_type=jnp.float32)
        + bias_ref[...]
    )


def kernel(x, W, b):
    batch, features, frame, node = x.shape
    rows = batch * features
    x_flat = x.reshape(rows, frame * node)

    w_g = W[_I_C]
    vals = jnp.take_along_axis(
        w_g, jnp.asarray(_WROW)[:, :, None], axis=1
    )
    m = jnp.einsum("cat,gc->tgac", vals, jnp.asarray(_ONEHOT))
    m = m.reshape(frame * node, 3 * _DIMS)
    bias = jnp.take_along_axis(b[_I_C], jnp.asarray(_WROW), axis=1)
    bias = bias.T.reshape(1, 3 * _DIMS)

    out_flat = pl.pallas_call(
        _matmul_kernel,
        grid=(rows // _ROWS_PER_BLOCK,),
        in_specs=[
            pl.BlockSpec((_ROWS_PER_BLOCK, frame * node), lambda i: (i, 0)),
            pl.BlockSpec((frame * node, 3 * _DIMS), lambda i: (0, 0)),
            pl.BlockSpec((1, 3 * _DIMS), lambda i: (0, 0)),
        ],
        out_specs=pl.BlockSpec((_ROWS_PER_BLOCK, 3 * _DIMS), lambda i: (i, 0)),
        out_shape=jax.ShapeDtypeStruct((rows, 3 * _DIMS), jnp.float32),
    )(x_flat, m, bias)

    return out_flat.reshape(batch, features, 3, _DIMS)

# --- scband reference (transcript-rebuilt; emitter-appended) ---
"""Pipeline reference for scband-graph-up-sample-12120397709982 (READ-ONLY COPY).

The authoritative reference and input builder live on the scoring server;
editing this copy changes nothing except your own understanding.
"""

import jax, jax.numpy as jnp
import numpy as np
import itertools

NODE = 32
K = 4
DIMS = NODE * K
SAMPLELIST = [[(37 * (4 * g + j)) % DIMS for j in range(K)] for g in range(NODE)]
INDEX = list(itertools.chain.from_iterable(SAMPLELIST))


def setup_inputs(seed: int = 0) -> dict:
    key = jax.random.key(seed)
    k1, k2, k3 = jax.random.split(key, 3)
    x = jax.random.normal(k1, (128, 256, 3, NODE), dtype=jnp.float32)
    # nn.Linear(3, 3*K) per node: weight [3*K, 3], bias [3*K], stacked over NODE
    W = jax.random.normal(k2, (NODE, 3 * K, 3), dtype=jnp.float32) * (1.0 / np.sqrt(3.0))
    b = jax.random.normal(k3, (NODE, 3 * K), dtype=jnp.float32) * 0.01
    return {"x": x, "W": W, "b": b}


def reference(x, W, b):
    batch, features, frame, node = x.shape
    feats = []
    for i in range(node):
        x1 = x[:, :, :, i].reshape(batch * features, frame)
        y = x1 @ W[i].T + b[i]  # [B*F, 3*k]
        k = len(SAMPLELIST[i])
        y = y.reshape(batch * features, 3, k).reshape(batch, features, 3, k)
        feats.append(y)
    y = jnp.concatenate(feats, axis=3)  # [batch, features, 3, DIMS]
    dims = y.shape[3]
    # Faithful replication of the torch in-place aliased loop:
    # y and y1 are the SAME tensor in the original, so each step reads the
    # CURRENT column i and writes it to column INDEX[i], sequentially.
    for i in range(dims):
        y = y.at[:, :, :, INDEX[i]].set(y[:, :, :, i])
    return y

if __name__ == "__main__":
    import jax
    _d = setup_inputs()
    print(jax.jit(kernel)(*tuple(_d.values())))

</pallas_src>

<mosaic_0001>
module attributes {stable_mosaic.version = 14 : i64} {
  func.func @_matmul_kernel(%arg0: i32, %arg1: memref<2048x96xf32, #tpu.memory_space<vmem>>, %arg2: memref<96x384xf32, #tpu.memory_space<vmem>>, %arg3: memref<1x384xf32, #tpu.memory_space<vmem>>, %arg4: memref<2048x384xf32, #tpu.memory_space<vmem>>) attributes {dimension_semantics = [#tpu.dimension_semantics<arbitrary>], iteration_bounds = array<i64: 16>, scalar_prefetch = 0 : i64, scratch_operands = 0 : i64, tpu.core_type = #tpu.core_type<tc>, window_params = [{transform_indices = @transform_0, window_bounds = array<i64: 2048, 96>}, {pipeline_mode = #tpu.pipeline_mode<synchronous>, transform_indices = @transform_1, window_bounds = array<i64: 96, 384>}, {pipeline_mode = #tpu.pipeline_mode<synchronous>, transform_indices = @transform_2, window_bounds = array<i64: 1, 384>}, {transform_indices = @transform_3, window_bounds = array<i64: 2048, 384>}]} {
    %get3A = arith.constant 0 : index
    %get3A_0 = arith.constant 0 : index
    %get3A_1 = vector.load %arg1[%get3A, %get3A_0] : memref<2048x96xf32, #tpu.memory_space<vmem>>, vector<2048x96xf32>
    %get3A_2 = arith.constant 0 : index
    %get3A_3 = arith.constant 0 : index
    %get3A_4 = vector.load %arg2[%get3A_2, %get3A_3] : memref<96x384xf32, #tpu.memory_space<vmem>>, vector<96x384xf32>
    %dot_general3A = arith.constant dense<0.000000e+00> : vector<2048x384xf32>
    %dot_general3A_5 = tpu.matmul %get3A_1, %get3A_4, %dot_general3A {dimension_numbers = #tpu.dot_dimension_numbers<[1], [0], [0], [1], [0, 0, 1, 1], [], []>, transpose_lhs_hint = false} : vector<2048x96xf32>, vector<96x384xf32>, vector<2048x384xf32> -> vector<2048x384xf32>
    %get3A_6 = arith.constant 0 : index
    %get3A_7 = arith.constant 0 : index
    %get3A_8 = vector.load %arg3[%get3A_6, %get3A_7] : memref<1x384xf32, #tpu.memory_space<vmem>>, vector<1x384xf32>
    %add3A = vector.broadcast %get3A_8 : vector<1x384xf32> to vector<2048x384xf32>
    %add3A_9 = arith.addf %dot_general3A_5, %add3A : vector<2048x384xf32>
    %swap3A = arith.constant 0 : index
    %swap3A_10 = arith.constant 0 : index
    %swap3A_11 = vector.load %arg4[%swap3A, %swap3A_10] : memref<2048x384xf32, #tpu.memory_space<vmem>>, vector<2048x384xf32>
    tpu.vector_store %arg4[%swap3A, %swap3A_10], %add3A_9 {strides = array<i32>} : memref<2048x384xf32, #tpu.memory_space<vmem>>, vector<2048x384xf32>,
    return
  }
  func.func @transform_0(%arg0: i32) -> (i32, i32) {
    %c0_i32 = arith.constant 0 : i32
    %c0_i32_0 = arith.constant 0 : i32
    return %arg0, %c0_i32 : i32, i32
  }
  func.func @transform_1(%arg0: i32) -> (i32, i32) {
    %c0_i32 = arith.constant 0 : i32
    %c0_i32_0 = arith.constant 0 : i32
    %c0_i32_1 = arith.constant 0 : i32
    return %c0_i32, %c0_i32_0 : i32, i32
  }
  func.func @transform_2(%arg0: i32) -> (i32, i32) {
    %c0_i32 = arith.constant 0 : i32
    %c0_i32_0 = arith.constant 0 : i32
    %c0_i32_1 = arith.constant 0 : i32
    return %c0_i32, %c0_i32_0 : i32, i32
  }
  func.func @transform_3(%arg0: i32) -> (i32, i32) {
    %c0_i32 = arith.constant 0 : i32
    %c0_i32_0 = arith.constant 0 : i32
    return %arg0, %c0_i32 : i32, i32
  }
}

</mosaic_0001>

<sc_bundles>
// kernel: sparse-core-data-format-call.cloned.1.call-start
scs
called_computation_lowered:
.L_overlay_start_0:
0x0: {  	s2 =	sld [smem:$0x3FD9]  }
0x1: {  	s3 =	sld [smem:$0x3FFE];
	_ =	sdelay $0x1  }
0x2: {  	s1 =	srdreg.scid  }
0x3: {  	s0 =	sand.u32 $0x1, s1  }
0x4: {  	s18 =	sshll.u32 s0, $0xA;
	s2 =	sadd.s32 s3, s2  }
0x5: {  	s2 =	sadd.s32 s2, s18  }
0x6: {  	[smem:$0x3FC5] =	sst s2  }
0x7: {  	_ = 	snop  }
0x8: {  	s2 =	sld [smem:$0x3FD0];
	(tm) =	ssettm $0x1  }
0x9: {  	s19 =	sld [smem:$0x3FFB];
	_ =	sdelay $0x3  }
0xa: {  	_ =	strace s19  }
0xb: {  	s3 =	sld [smem:$0x3FFC];
	_ =	sdelay $0x3  }
0xc: {  	_ =	strace s3  }
0xd: {  	s3 =	sld [smem:$0x3FFD];
	_ =	sdelay $0x3  }
0xe: {  	_ =	strace s3  }
0xf: {  	_ =	strace $0x8FFFFFFF  }
0x10: {  	s20 =	sld [smem:$0x3FDB];
	_ =	sdelay $0x1  }
0x11: {  	s4 =	simm.s32 $_scs_section_size  }
0x12: {  	s5 =	simm.s32 $_size__tile_overlayer_lowered;
	s6 =	simm.s32 $_tile_overlayer_lowered  }
0x13: {  	s23 =	simm.s32 $0x1BFF;
	s22 =	sshll.u32 s6, $0x1;
	s3 =	sadd.s32 s4, s20  }
0x14: {  	s7 =	simm.s32 $0x0;
	s21 =	sshll.u32 s5, $0x1;
	s5 =	sadd.s32 s22, s3  }
0x15: {  	[timem:s7], [sflag:s23] =	dma.local [hbm:s5], s21  }
0x16: {  	_ =	swait.ge [sflag:s23], s21  }
0x17: {  	s4 =	ssub.s32 $0x0, s21;
	[sflag:s23] =	ssyncset.done $0x0  }
0x18: {  	[sflag:s23] =	ssyncadd.s32 s4;
	_ =	sdelay $0x1  }
0x19: {  	s24 =	simm.s32 $0x1B8B  }
0x1a: {  	_ =	swait.ge [sflag:s24], $0x1  }
0x1b: {  	[sflag:s24] =	ssyncset.done $0x0  }
0x1c: {  	s26 =	simm.s32 $0x1B8E;
	s25 =	sld [smem:$0x3FFE];
	[sflag:s24] =	ssyncadd.s32 $0xFFFFFFFF  }
0x1d: {  	s27 =	simm.s32 $execute0_lowered;
	[smem:$0x3FD2] =	sst s26  }
0x1e: {  	s5 =	sshll.u32 s27, $0x1;
	_ =	strace $0x80000046;
	[dreg:$0x1] =	wrdreg $0xFFFFFFFF  }
0x1f: {  	s28 =	simm.s32 $_size_execute0_lowered;
	s3 =	sadd.s32 s3, s5;
	[dreg:$0x0] =	wrdreg $0x0  }
0x20: {  	s5 =	sshll.u32 s28, $0x1;
	[dreg:$0x2] =	wrdreg s3  }
0x21: {  	[dreg:$0x3] =	wrdreg s5  }
0x22: {  	[dreg:$0x4] =	wrdreg $0xC0  }
0x23: {  	_ =	task [dreg:s7], $0x5FFFF  }
0x24: {  	[dreg:$0x1] =	wrdreg $0xFFFFFFFF  }
0x25: {  	[dreg:$0x0] =	wrdreg $0x60  }
0x26: {  	[dreg:$0x2] =	wrdreg s25  }
0x27: {  	[dreg:$0x3] =	wrdreg s2  }
0x28: {  	[dreg:$0x4] =	wrdreg $0x9  }
0x29: {  	_ =	task.clear_ibuf [dreg:s7], $0x5FFFF;
	_ =	strace $0x90000046  }
0x2a: {  	s29 =	simm.s32 $0x9;
	_ =	strace $0x80000048  }
0x2b: {  	_ =	swait.ge [sflag:s29], $0x1  }
0x2c: {  	[sflag:s29] =	ssyncadd.s32 $0xFFFFFFFF  }
0x2d: {  	_ =	strace $0x90000048  }
0x2e: {  	_ =	sfence  }
0x2f: {  	s30 =	sld [smem:$0x0];
	_ =	sdelay $0x2  }
0x30: {  	s31 =	sshll.u32 s1, $0xD;
	s1 =	sshrl.u32 s1, $0x2  }
0x31: {  	s3 =	sand.u32 $0x4000, s31;
	s1 =	sadd.s32 s1, s30  }
0x32: {  	s0 =	sor.u32 s3, s0;
	s1 =	sshll.u32 s1, $0x11  }
0x33: {  	s0 =	sor.u32 s1, s0  }
0x34: {  	s0 =	sadd.s32 $0x8F2B, s0  }
0x35: {  	[sflag:s0] =	ssyncadd.remote.s32 $0x1  }
0x36: {  	_ =	sfence.sel $0xFFFF  }
0x37: {  	[dreg:$0x0] =	wrdreg $0xFFFFFFFF;
	(pc) =	sbr.abs _section_cstart, $3  }
0x38: {  	[dreg:$0x1] =	wrdreg $0xFFFFFFFF  }
0x39: {  	_ =	task.clear_ibuf [dreg:s7], $0x2FFFF;
	_ =	strace $0x9FFFFFFF  }
0x3a: {  	(tm) =	ssettm $0x7FFFFFFF  }
0x3b: {  	_ =	shalt  }
tec
execute0_lowered:
.L_overlay_start_1:
0x0: {  	(tag) =	ssettag $0x1  }
0x1: {  	s1 =	rddreg [dreg:$0x0]  }
0x2: {  	s2 =	rddreg [dreg:$0x1]  }
0x3: {  	s0 =	rddreg [dreg:$0x2]  }
0x4: {  	s4 =	srdreg.scid;
	_ =	strace $0x80000047;
	s6 =	simm.s32 $0x2  }
0x5: {  	p0 =	por $0x0, $0x0;
	s11 =	simm.s32 $0x0;
	s12 =	simm.s32 $0x0  }
.Ltmp0:
0x6: {  	s13 =	simm.s32 $0x0;
	s8 =	simm.s32 $0x0;
	(pc) =	sbr.rel .LBB1_1-.Ltmp0, $4  }
0x7: {  	s9 =	simm.s32 $0x0;
	s3 =	sadd.s32 $0xC00, s1;
	s4 =	sshll.u32 s4, $0x4  }
0x8: {  	s1 =	stileid.u32;
	s5 =	sand.u32 $0x10, s4;
	s4 =	simm.s32 $0x1  }
0x9: {  	s7 =	simm.s32 $0x0;
	s5 =	sor.u32 s1, s5;
	[sflag:s4] =	ssyncpa.u1 $0x0  }
0xa: {  	[sflag:s6] =	ssyncpa.u1 $0x0;
	s6 =	simm.s32 $0x0;
	s10 =	smov.u32 s5  }
.LBB1_5:
0xb: {  	s14 =	sadd.s32 $0x1, s8  }
0xc: {  	s11 =	sadd.s32 $0x80, s9;
	s15 =	smov.u32 s9;
	p2 =	sgt.s32 s14, $0x2  }
0xd: {  	s15 =	smov.u32 @p2 s11  }
0xe: {  	s17 =	smov.u32 s10;
	s11 =	sadd.s32 $0x20, s10;
	p3 =	sgt.s32 s15, $0xFF  }
0xf: {  	p1 =	slt.u32 s7, $0x2;
	s17 =	smov.u32 @p3 s11  }
0x10: {  	s7 =	sadd.s32 $0x1, s7;
	s14 =	simm.s32 @p2 $0x0;
	p2 =	sgt.s32 s17, $0x7F  }
0x11: {  	s17 =	smov.u32 @p2 s5;
	p2 =	sne.s32 s7, $0x1A  }
.Ltmp1:
0x12: {  	s16 =	simm.s32 @!p1 $0x2;
	(pc) =	sbr.rel @!p2 .LBB1_6-.Ltmp1, $4  }
0x13: {  	s12 =	smov.u32 s9;
	_ =	swait.ge @!p1 [sflag:s16], $0x4000  }
0x14: {  	s13 =	smov.u32 s10;
	p0 =	por !p0, !p0;
	[sflag:s16] =	ssyncset.done @!p1 $0x0  }
0x15: {  	s15 =	simm.s32 @p3 $0x0;
	s11 =	smov.u32 s8;
	[sflag:s16] =	ssyncadd.s32 @!p1 $0xFFFFC000  }
0x16: {  	s8 =	smov.u32 s14;
	s9 =	smov.u32 s15;
	s10 =	smov.u32 s17  }
.LBB1_1:
0x17: {  	p1 =	sgt.u32 s7, $0x17  }
0x18: {  	s14 =	sxor.u32 @!p1 $0xFFFFFFFF, s7;
	s15 =	sshll.u32 @!p1 s10, $0xE;
	s16 =	sshll.u32 @!p1 s9, $0x6  }
0x19: {  	s17 =	sshll.u32 @!p1 s8, $0x4;
	s14 =	sshll.u32 @!p1 s14, $0xE;
	s15 =	sadd.s32 @!p1 s3, s15  }
0x1a: {  	s17 =	sand.u32 @!p1 $0x30, s17;
	s14 =	sand.u32 @!p1 $0x4000, s14;
	s15 =	sadd.s32 @!p1 s16, s15  }
0x1b: {  	s16 =	simm.s32 @!p1 $0x80;
	s15 =	sadd.s32 @!p1 s17, s15;
	s17 =	simm.s32 @!p1 $0x200  }
0x1c: {  	[tilespmem:s14], [sflag:$0x1] =	stream.strided.gather @!p1 [hbm4b:s15+s16], $0x4000, s17, s16, $0x38;
	[tilespmem:$0x10000] =	vst v63  }
0x1d: {  	p1 =	seq.s32 s7, $0x0  }
0x1e: {  	p2 =	seq.s32 @!p1 s7, $0x19  }
0x1f: {  	p1 =	por p1, p2  }
.Ltmp2:
0x20: {  	_ = 	snop;
	(pc) =	sbr.rel @p1 .LBB1_5-.Ltmp2, $1  }
0x21: {  	_ =	sdelay $0x3  }
0x22: {  	s14 =	simm.s32 $0x1  }
0x23: {  	s14 =	simm.s32 @!p0 $0x0  }
0x24: {  	s14 =	sshll.u32 s14, $0xE  }
0x25: {  	s15 =	sor.u32 $0x70, s14  }
0x26: {  	v1 =	vmov s15;
	_ =	sdelay $0x1  }
0x27: {  	_ =	swait.ge [sflag:s4], $0x4000  }
0x28: {  	[sflag:s4] =	ssyncset.done $0x0  }
0x29: {  	[sflag:s4] =	ssyncadd.s32 $0xFFFFC000;
	s15 =	simm.s32 $0x0  }
0x2a: {  	s14 =	sor.u32 $0x8040, s14;
	v7 =	vld.idx.msk [tilespmem:v1+s15+$0x0 ss:$0x1], $0xffff  }
0x2b: {  	v0 =	vmov s14;
	v8 =	vld.idx.msk [tilespmem:v1+s15+$0xFFFFFF90 ss:$0x1], $0xffff  }
0x2c: {  	v6 =	vld.idx.msk [tilespmem:v1+s15+$0xFFFFFFA0 ss:$0x1], $0xffff  }
0x2d: {  	v4 =	vld.idx.msk [tilespmem:v1+s15+$0xFFFFFFB0 ss:$0x1], $0xffff  }
0x2e: {  	v2 =	vld.idx.msk [tilespmem:v1+s15+$0xFFFFFFC0 ss:$0x1], $0xffff  }
0x2f: {  	s31 =	sshll.u32 s7, $0xE;
	v3 =	vld.idx.msk [tilespmem:v1+s15+$0xFFFFFFD0 ss:$0x1], $0xffff  }
0x30: {  	s14 =	sand.u32 $0x4000, s31;
	v5 =	vld.idx.msk [tilespmem:v1+s15+$0xFFFFFFE0 ss:$0x1], $0xffff;
	[tilespmem:v0+s15+$0x30 ss:$0x1] =	vst.idx.msk $0xffff, v7  }
0x31: {  	s16 =	simm.s32 $0x80;
	s17 =	simm.s32 $0x400;
	s14 =	sor.u32 $0x8000, s14;
	[tilespmem:v0+s15+$0xFFFFFFC0 ss:$0x1] =	vst.idx.msk $0xffff, v8;
	v7 =	vld.idx.msk [tilespmem:v1+s15+$0xFFFFFFF0 ss:$0x1], $0xffff  }
.LBB1_3:
0x32: {  	p1 =	sne.s32 s17, $0xFE00;
	v8 =	vld.idx.msk [tilespmem:v1+s16+$0x0 ss:$0x1], $0xffff;
	[tilespmem:v0+s15+$0xFFFFFFD0 ss:$0x1] =	vst.idx.msk $0xffff, v6  }
0x33: {  	v9 =	vld.idx.msk [tilespmem:v1+s16+$0xFFFFFF90 ss:$0x1], $0xffff;
	[tilespmem:v0+s15+$0xFFFFFFE0 ss:$0x1] =	vst.idx.msk $0xffff, v4  }
0x34: {  	v6 =	vld.idx.msk [tilespmem:v1+s16+$0xFFFFFFA0 ss:$0x1], $0xffff;
	[tilespmem:v0+s15+$0xFFFFFFF0 ss:$0x1] =	vst.idx.msk $0xffff, v2  }
.Ltmp3:
0x35: {  	v4 =	vld.idx.msk [tilespmem:v1+s16+$0xFFFFFFB0 ss:$0x1], $0xffff;
	[tilespmem:v0+s15+$0x0 ss:$0x1] =	vst.idx.msk $0xffff, v3;
	(pc) =	sbr.rel @p1 .LBB1_3-.Ltmp3, $4  }
0x36: {  	v2 =	vld.idx.msk [tilespmem:v1+s16+$0xFFFFFFC0 ss:$0x1], $0xffff;
	[tilespmem:v0+s15+$0x10 ss:$0x1] =	vst.idx.msk $0xffff, v5  }
0x37: {  	v3 =	vld.idx.msk [tilespmem:v1+s16+$0xFFFFFFD0 ss:$0x1], $0xffff;
	[tilespmem:v0+s15+$0x20 ss:$0x1] =	vst.idx.msk $0xffff, v7;
	s15 =	smov.u32 s16  }
0x38: {  	v5 =	vld.idx.msk [tilespmem:v1+s15+$0xFFFFFFE0 ss:$0x1], $0xffff;
	[tilespmem:v0+s15+$0x30 ss:$0x1] =	vst.idx.msk $0xffff, v8  }
0x39: {  	s16 =	sshra.s32 s17, $0x2;
	s17 =	sadd.s32 $0x200, s17;
	[tilespmem:v0+s15+$0xFFFFFFC0 ss:$0x1] =	vst.idx.msk $0xffff, v9;
	v7 =	vld.idx.msk [tilespmem:v1+s15+$0xFFFFFFF0 ss:$0x1], $0xffff  }
0x3a: {  	_ =	sdelay $0x3  }
0x3b: {  	[tilespmem:v0+s15+$0xFFFFFFD0 ss:$0x1] =	vst.idx.msk $0xffff, v6  }
0x3c: {  	v56 =	vld.idx.msk [tilespmem:v1+s16+$0x0 ss:$0x1], $0xffff;
	[tilespmem:v0+s15+$0xFFFFFFE0 ss:$0x1] =	vst.idx.msk $0xffff, v4  }
0x3d: {  	v57 =	vld.idx.msk [tilespmem:v1+s16+$0xFFFFFF90 ss:$0x1], $0xffff;
	[tilespmem:v0+s15+$0xFFFFFFF0 ss:$0x1] =	vst.idx.msk $0xffff, v2  }
0x3e: {  	v58 =	vld.idx.msk [tilespmem:v1+s16+$0xFFFFFFA0 ss:$0x1], $0xffff;
	[tilespmem:v0+s15+$0x0 ss:$0x1] =	vst.idx.msk $0xffff, v3  }
0x3f: {  	v59 =	vld.idx.msk [tilespmem:v1+s16+$0xFFFFFFB0 ss:$0x1], $0xffff;
	[tilespmem:v0+s15+$0x10 ss:$0x1] =	vst.idx.msk $0xffff, v5  }
0x40: {  	v60 =	vld.idx.msk [tilespmem:v1+s16+$0xFFFFFFC0 ss:$0x1], $0xffff;
	[tilespmem:v0+s15+$0x20 ss:$0x1] =	vst.idx.msk $0xffff, v7  }
0x41: {  	v61 =	vld.idx.msk [tilespmem:v1+s16+$0xFFFFFFD0 ss:$0x1], $0xffff;
	[tilespmem:v0+s16+$0x30 ss:$0x1] =	vst.idx.msk $0xffff, v56  }
0x42: {  	v62 =	vld.idx.msk [tilespmem:v1+s16+$0xFFFFFFE0 ss:$0x1], $0xffff;
	[tilespmem:v0+s16+$0xFFFFFFC0 ss:$0x1] =	vst.idx.msk $0xffff, v57  }
0x43: {  	v63 =	vld.idx.msk [tilespmem:v1+s16+$0xFFFFFFF0 ss:$0x1], $0xffff;
	[tilespmem:v0+s16+$0xFFFFFFD0 ss:$0x1] =	vst.idx.msk $0xffff, v58  }
0x44: {  	s13 =	smul.u32 $0x3000, s13;
	[tilespmem:v0+s16+$0xFFFFFFE0 ss:$0x1] =	vst.idx.msk $0xffff, v59  }
.Ltmp4:
0x45: {  	[tilespmem:v0+s16+$0xFFFFFFF0 ss:$0x1] =	vst.idx.msk $0xffff, v60;
	(pc) =	sbr.rel .LBB1_5-.Ltmp4, $4  }
0x46: {  	s11 =	sshll.u32 s11, $0xC;
	s12 =	sshll.u32 s12, $0x4;
	s13 =	sadd.s32 s2, s13;
	[tilespmem:v0+s16+$0x0 ss:$0x1] =	vst.idx.msk $0xffff, v61  }
0x47: {  	s12 =	sand.u32 $0xFF0, s12;
	s11 =	sadd.s32 s11, s13;
	[tilespmem:v0+s16+$0x10 ss:$0x1] =	vst.idx.msk $0xffff, v62  }
0x48: {  	s11 =	sadd.s32 s12, s11;
	[tilespmem:v0+s16+$0x20 ss:$0x1] =	vst.idx.msk $0xffff, v63  }
0x49: {  	[hbm4b:s11+s6] =	stream.linear.scatter [tilespmem:s14], [sflag:$0x2], $0x4000, $0x38;
	[tilespmem:$0x10000] =	vst v63  }
.LBB1_6:
0x4a: {  	_ =	sfence.sel $0x180000  }
0x4b: {  	s2 =	simm.s32 $0x1;
	[bflag:$0x0] =	sbarrier.arrive $0xFFFF  }
0x4c: {  	s31 =	simm.s32 $0x2;
	[sflag:s2] =	ssyncpa.u1 $0x1  }
0x4d: {  	[sflag:s31] =	ssyncpa.u1 $0x1  }
0x4e: {  	p0 =	sne.s32 s1, $0x0;
	_ =	strace $0x90000047  }
0x4f: {  	s0 =	sadd.s32 @!p0 $0x100000, s0;
	[bflag:$0x2] =	sbarrier.arrive $0xFFFF  }
0x50: {  	[sflag:s0] =	ssyncadd.tile.s32 @!p0 $0x1;
	_ =	shalt  }
.Lfunc_end1:
_tile_overlayer_lowered:
.L_overlay_start_2:
0x51: {  	(tag) =	ssettag $0x2  }
0x52: {  	s0 =	rddreg [dreg:$0x0];
	s2 =	stileid.u32  }
0x53: {  	s1 =	rddreg [dreg:$0x1];
	p0 =	sne.s32 s2, $0x0  }
0x54: {  	s3 =	rddreg [dreg:$0x2];
	[bflag:$0x3] =	sbarrier.arrive $0xFFFF;
	s2 =	simm.s32 @!p0 $0x1C01  }
0x55: {  	[timem:s3], [sflag:s2] =	dma.local @!p0 [hbm:s0], s1  }
0x56: {  	s0 =	simm.s32 @!p0 $0x1  }
0x57: {  	_ =	swait.ge @!p0 [sflag:s0], s1  }
0x58: {  	s1 =	ssub.s32 @!p0 $0x0, s1;
	[sflag:s0] =	ssyncset.done @!p0 $0x0  }
0x59: {  	[sflag:s0] =	ssyncadd.s32 @!p0 s1  }
0x5a: {  	[bflag:$0x3] =	sbarrier.arrive $0xFFFF  }
0x5b: {  	_ =	shalt  }

</sc_bundles>
